<compile_context>
chip_gen: v7x
topology: tpu7x:2x2x1
jax: 0.10.2.dev20260603
libtpu: 0.0.44.dev20260713+nightly
codegen_flags: <defaults>
</compile_context>

<pallas_src>
import dataclasses

import jax
import jax.numpy as jnp
from jax import lax
from jax.experimental import pallas as pl
from jax.experimental.pallas import tpu as pltpu
from jax.experimental.pallas import tpu_sc as plsc

_N = 10000
_E = 320000
_F = 128
_R = 10240
_T = 80
_NC = 2
_NS = 16
_NW = _NC * _NS
_EPW = _E // _NW
_KB = 80
_CHB = _EPW // _KB
_RPS = _R // _NS

_mesh = plsc.VectorSubcoreMesh(core_axis_name="c", subcore_axis_name="s")
_cp = pltpu.CompilerParams()
if "needs_layout_passes" in pltpu.CompilerParams.__dataclass_fields__:
    _cp = dataclasses.replace(_cp, needs_layout_passes=False)


def _f32(*shape):
    return jax.ShapeDtypeStruct(shape, jnp.float32)


def _deg_body(src_hbm, dst_hbm, od_hbm, id_hbm, sidx, didx,
              od_acc, id_acc, dsem0, dsem1):
    cid = lax.axis_index("c")
    sid = lax.axis_index("s")
    wid = sid * _NC + cid

    pltpu.async_copy(src_hbm.at[pl.ds(wid * _EPW, _EPW)], sidx, dsem0)
    pltpu.async_copy(dst_hbm.at[pl.ds(wid * _EPW, _EPW)], didx, dsem1)

    @pl.loop(0, _R // 16)
    def _(i):
        od_acc.at[pl.ds(i * 16, 16)][...] = jnp.zeros((16,), jnp.float32)
        id_acc.at[pl.ds(i * 16, 16)][...] = jnp.zeros((16,), jnp.float32)

    pltpu.make_async_copy(src_hbm.at[pl.ds(wid * _EPW, _EPW)], sidx, dsem0).wait()
    pltpu.make_async_copy(dst_hbm.at[pl.ds(wid * _EPW, _EPW)], didx, dsem1).wait()
    ones = jnp.ones((16,), jnp.float32)

    @pl.loop(0, _EPW // 16)
    def _(i):
        s16 = sidx[pl.ds(i * 16, 16)]
        d16 = didx[pl.ds(i * 16, 16)]
        plsc.addupdate_scatter(od_acc, [s16], ones)
        plsc.addupdate_scatter(id_acc, [d16], ones)

    pltpu.sync_copy(od_acc, od_hbm.at[wid])
    pltpu.sync_copy(id_acc, id_hbm.at[wid])


@jax.jit
def _deg_call(src, dst):
    k = pl.kernel(
        _deg_body,
        out_type=[_f32(_NW, _R), _f32(_NW, _R)],
        mesh=_mesh,
        compiler_params=_cp,
        scratch_types=[
            pltpu.VMEM((_EPW,), jnp.int32),
            pltpu.VMEM((_EPW,), jnp.int32),
            pltpu.VMEM((_R,), jnp.float32),
            pltpu.VMEM((_R,), jnp.float32),
            pltpu.SemaphoreType.DMA,
            pltpu.SemaphoreType.DMA,
        ],
    )
    return k(src, dst)


def _s_body(src_hbm, dst_hbm, nd_hbm, s_hbm, sidx, didx, ndv, sacc,
            ssem0, ssem1, ssem2):
    cid = lax.axis_index("c")
    sid = lax.axis_index("s")
    wid = sid * _NC + cid

    pltpu.async_copy(src_hbm.at[pl.ds(wid * _EPW, _EPW)], sidx, ssem0)
    pltpu.async_copy(dst_hbm.at[pl.ds(wid * _EPW, _EPW)], didx, ssem1)
    pltpu.async_copy(nd_hbm, ndv, ssem2)

    @pl.loop(0, _R // 16)
    def _(i):
        sacc.at[pl.ds(i * 16, 16)][...] = jnp.zeros((16,), jnp.float32)

    pltpu.make_async_copy(src_hbm.at[pl.ds(wid * _EPW, _EPW)], sidx, ssem0).wait()
    pltpu.make_async_copy(dst_hbm.at[pl.ds(wid * _EPW, _EPW)], didx, ssem1).wait()
    pltpu.make_async_copy(nd_hbm, ndv, ssem2).wait()

    @pl.loop(0, _EPW // 16)
    def _(i):
        s16 = sidx[pl.ds(i * 16, 16)]
        d16 = didx[pl.ds(i * 16, 16)]
        v = plsc.load_gather(ndv, [d16])
        plsc.addupdate_scatter(sacc, [s16], v)

    pltpu.sync_copy(sacc, s_hbm.at[wid])


@jax.jit
def _s_call(src, dst, nd):
    k = pl.kernel(
        _s_body,
        out_type=_f32(_NW, _R),
        mesh=_mesh,
        compiler_params=_cp,
        scratch_types=[
            pltpu.VMEM((_EPW,), jnp.int32),
            pltpu.VMEM((_EPW,), jnp.int32),
            pltpu.VMEM((_R,), jnp.float32),
            pltpu.VMEM((_R,), jnp.float32),
            pltpu.SemaphoreType.DMA,
            pltpu.SemaphoreType.DMA,
            pltpu.SemaphoreType.DMA,
        ],
    )
    return k(src, dst, nd)


def _spmm_body(src_hbm, dst3_hbm, hs_hbm, agg_hbm,
               sidx, didx2, rows0, rows1, zidx,
               sem0, sem1, agg_sh):
    cid = lax.axis_index("c")
    sid = lax.axis_index("s")
    wid = sid * _NC + cid

    pltpu.async_copy(src_hbm.at[pl.ds(wid * _EPW, _EPW)], sidx, sem0)
    pltpu.async_copy(dst3_hbm.at[wid], didx2, sem1)

    @pl.loop(0, _KB)
    def _(i):
        @pl.loop(0, _F, step=16)
        def _(c0):
            rows1.at[i, pl.ds(c0, 16)][...] = jnp.zeros((16,), jnp.float32)

    base_row = sid * _RPS

    @pl.loop(0, _RPS // _KB)
    def _(b):
        @pl.loop(0, _KB // 16)
        def _(k):
            zidx.at[pl.ds(k * 16, 16)][...] = (
                base_row + b * _KB + k * 16 + lax.iota(jnp.int32, 16))
        pltpu.sync_copy(rows1, agg_sh.at[zidx])

    pltpu.make_async_copy(src_hbm.at[pl.ds(wid * _EPW, _EPW)], sidx, sem0).wait()
    pltpu.make_async_copy(dst3_hbm.at[wid], didx2, sem1).wait()
    plsc.subcore_barrier()

    pltpu.async_copy(hs_hbm.at[sidx.at[pl.ds(0, _KB)]], rows0, sem0)

    @pl.loop(0, (_CHB - 1) // 2)
    def _(m):
        a = 2 * m
        pltpu.make_async_copy(
            hs_hbm.at[sidx.at[pl.ds(a * _KB, _KB)]], rows0, sem0).wait()
        pltpu.async_copy(
            hs_hbm.at[sidx.at[pl.ds((a + 1) * _KB, _KB)]], rows1, sem1)
        pltpu.sync_copy(rows0, agg_sh.at[didx2.at[a]], add=True)
        pltpu.make_async_copy(
            hs_hbm.at[sidx.at[pl.ds((a + 1) * _KB, _KB)]], rows1, sem1).wait()
        pltpu.async_copy(
            hs_hbm.at[sidx.at[pl.ds((a + 2) * _KB, _KB)]], rows0, sem0)
        pltpu.sync_copy(rows1, agg_sh.at[didx2.at[a + 1]], add=True)

    last = _CHB - 1
    pltpu.make_async_copy(
        hs_hbm.at[sidx.at[pl.ds(last * _KB, _KB)]], rows0, sem0).wait()
    pltpu.sync_copy(rows0, agg_sh.at[didx2.at[last]], add=True)

    plsc.subcore_barrier()
    sl = pl.ds(base_row, _RPS)
    pltpu.sync_copy(agg_sh.at[sl], agg_hbm.at[cid, sl])


@jax.jit
def _spmm_call(src, dst3, hs):
    k = pl.kernel(
        _spmm_body,
        out_type=_f32(_NC, _R, _F),
        mesh=_mesh,
        compiler_params=_cp,
        scratch_types=[
            pltpu.VMEM((_EPW,), jnp.int32),
            pltpu.VMEM((_CHB, _KB), jnp.int32),
            pltpu.VMEM((_KB, _F), jnp.float32),
            pltpu.VMEM((_KB, _F), jnp.float32),
            pltpu.VMEM((_KB,), jnp.int32),
            pltpu.SemaphoreType.DMA,
            pltpu.SemaphoreType.DMA,
            pltpu.VMEM_SHARED((_R, _F), jnp.float32),
        ],
    )
    return k(src, dst3, hs)


def _prep_body(x_ref, odp_ref, idp_ref, hs_ref, nd_ref, ns_ref):
    od = jnp.sum(odp_ref[...], axis=0)
    ns = lax.rsqrt(jnp.maximum(od, 1.0))
    ind = jnp.sum(idp_ref[...], axis=0)
    nd = lax.rsqrt(jnp.maximum(ind, 1.0))
    hs_ref[...] = x_ref[...] * ns[:, None]
    nd_ref[...] = nd
    ns_ref[...] = ns


def _prep_call(xpad, odp, idp):
    return pl.pallas_call(
        _prep_body,
        grid=(_T,),
        in_specs=[
            pl.BlockSpec((128, _F), lambda i: (i, 0)),
            pl.BlockSpec((_NW, 128), lambda i: (0, i)),
            pl.BlockSpec((_NW, 128), lambda i: (0, i)),
        ],
        out_specs=[
            pl.BlockSpec((128, _F), lambda i: (i, 0)),
            pl.BlockSpec((128,), lambda i: (i,)),
            pl.BlockSpec((128,), lambda i: (i,)),
        ],
        out_shape=[_f32(_R, _F), _f32(_R), _f32(_R)],
    )(xpad, odp, idp)


def _final_body(aggp_ref, nd_ref, ns_ref, sp_ref, w1_ref, b1_ref,
                w2_ref, b2_ref, out_ref, acc_ref):
    i = pl.program_id(0)

    @pl.when(i == 0)
    def _():
        acc_ref[...] = jnp.zeros_like(acc_ref)

    a = (aggp_ref[0] + aggp_ref[1]) * nd_ref[...][:, None]
    h = jnp.dot(a, w1_ref[...], preferred_element_type=jnp.float32) + b1_ref[...]
    r = jnp.maximum(h, 0.0)
    c = ns_ref[...] * jnp.sum(sp_ref[...], axis=0)
    acc_ref[...] += jnp.sum(r * c[:, None], axis=0, keepdims=True)

    @pl.when(i == _T - 1)
    def _():
        v = acc_ref[...] * (1.0 / _N)
        out_ref[...] = (
            jnp.dot(v, w2_ref[...], preferred_element_type=jnp.float32)
            + b2_ref[...]
        )


def _final_call(aggp, nd, ns, sp, W1, b1, W2, b2):
    return pl.pallas_call(
        _final_body,
        grid=(_T,),
        in_specs=[
            pl.BlockSpec((_NC, 128, _F), lambda i: (0, i, 0)),
            pl.BlockSpec((128,), lambda i: (i,)),
            pl.BlockSpec((128,), lambda i: (i,)),
            pl.BlockSpec((_NW, 128), lambda i: (0, i)),
            pl.BlockSpec((_F, _F), lambda i: (0, 0)),
            pl.BlockSpec((1, _F), lambda i: (0, 0)),
            pl.BlockSpec((_F, 16), lambda i: (0, 0)),
            pl.BlockSpec((1, 16), lambda i: (0, 0)),
        ],
        out_specs=pl.BlockSpec((1, 16), lambda i: (0, 0)),
        out_shape=_f32(1, 16),
        scratch_shapes=[pltpu.VMEM((1, _F), jnp.float32)],
    )(aggp, nd, ns, sp, W1, b1, W2, b2)


def kernel(x, edge_index, W1, b1, W2, b2):
    src = edge_index[0].astype(jnp.int32)
    dst = edge_index[1].astype(jnp.int32)
    dst3 = dst.reshape(_NW, _CHB, _KB)
    xpad = jnp.pad(x, ((0, _R - _N), (0, 0)))
    odp, idp = _deg_call(src, dst)
    hs, nd, ns = _prep_call(xpad, odp, idp)
    aggp = _spmm_call(src, dst3, hs)
    sp = _s_call(src, dst, nd)
    return _final_call(aggp, nd, ns, sp, W1,
                       b1.reshape(1, _F), W2, b2.reshape(1, 16))

# --- scband reference (transcript-rebuilt; emitter-appended) ---
"""Pipeline reference for scband-gcn-58411555225950 (READ-ONLY COPY).

The authoritative reference and input builder live on the scoring server;
editing this copy changes nothing except your own understanding.
"""

import jax, jax.numpy as jnp
import numpy as np

N_NODES = 10000
N_EDGES = 320000
IN_FEATS = 128
H_FEATS = 128
NUM_CLASSES = 16


def setup_inputs(seed: int = 0) -> dict:
    key = jax.random.key(seed)
    k1, k2, k3, k4 = jax.random.split(key, 4)
    x = jax.random.normal(k1, (N_NODES, IN_FEATS), dtype=jnp.float32)
    edge_index = jax.random.randint(k2, (2, N_EDGES), 0, N_NODES, dtype=jnp.int64)
    W1 = jax.random.normal(k3, (IN_FEATS, H_FEATS), dtype=jnp.float32) * (1.0 / np.sqrt(IN_FEATS))
    b1 = jnp.zeros((H_FEATS,), dtype=jnp.float32)
    W2 = jax.random.normal(k4, (H_FEATS, NUM_CLASSES), dtype=jnp.float32) * (1.0 / np.sqrt(H_FEATS))
    b2 = jnp.zeros((NUM_CLASSES,), dtype=jnp.float32)
    return {"x": x, "edge_index": edge_index, "W1": W1, "b1": b1, "W2": W2, "b2": b2}


def _gcn_conv(h, src, dst, norm_src, norm_dst, W, b):
    # DGL GraphConv with norm='both': scale by out-degree^-1/2 on src side,
    # sum-aggregate over incoming edges, scale by in-degree^-1/2 on dst side.
    hs = h * norm_src
    msg = jnp.take(hs, src, axis=0)              # gather (SparseCore)
    agg = jax.ops.segment_sum(msg, dst, num_segments=N_NODES)  # scatter-add
    agg = agg * norm_dst
    return agg @ W + b


def reference(x, edge_index, W1, b1, W2, b2):
    src = edge_index[0]
    dst = edge_index[1]
    ones = jnp.ones((N_EDGES,), dtype=jnp.float32)
    out_deg = jnp.clip(jax.ops.segment_sum(ones, src, num_segments=N_NODES), 1.0)
    in_deg = jnp.clip(jax.ops.segment_sum(ones, dst, num_segments=N_NODES), 1.0)
    norm_src = jnp.power(out_deg, -0.5)[:, None]
    norm_dst = jnp.power(in_deg, -0.5)[:, None]
    h = _gcn_conv(x, src, dst, norm_src, norm_dst, W1, b1)
    h = jax.nn.relu(h)
    h = _gcn_conv(h, src, dst, norm_src, norm_dst, W2, b2)
    # dgl.mean_nodes over the single graph -> [1, num_classes]
    return jnp.mean(h, axis=0, keepdims=True)

if __name__ == "__main__":
    import jax
    _d = setup_inputs()
    print(jax.jit(kernel)(*tuple(_d.values())))

</pallas_src>

<mosaic_0001>
#map = affine_map<(d0, d1) -> (0)>
#map1 = affine_map<(d0, d1) -> (0, 0)>
module attributes {stable_mosaic.version = 14 : i64} {
  func.func @_deg_body(%arg0: i32, %arg1: i32, %arg2: memref<320000xi32, #tpu.memory_space<hbm>>, %arg3: memref<320000xi32, #tpu.memory_space<hbm>>, %arg4: memref<32x10240xf32, #tpu.memory_space<hbm>>, %arg5: memref<32x10240xf32, #tpu.memory_space<hbm>>, %arg6: memref<10000xi32, #tpu.memory_space<vmem>>, %arg7: memref<10000xi32, #tpu.memory_space<vmem>>, %arg8: memref<10240xf32, #tpu.memory_space<vmem>>, %arg9: memref<10240xf32, #tpu.memory_space<vmem>>, %arg10: memref<!tpu.dma_semaphore, #tpu.memory_space<semaphore_mem>>, %arg11: memref<!tpu.dma_semaphore, #tpu.memory_space<semaphore_mem>>) attributes {dimension_semantics = [#tpu.dimension_semantics<core_parallel>, #tpu.dimension_semantics<subcore_parallel>], iteration_bounds = array<i64: 2, 16>, scalar_prefetch = 0 : i64, scratch_operands = 6 : i64, tpu.core_type = #tpu.core_type<sc_vector_subcore>, window_params = [{transform_indices = #map}, {transform_indices = #map}, {transform_indices = #map1}, {transform_indices = #map1}]} {
    %mul3A = arith.constant 2 : i32
    %mul3A_0 = arith.muli %arg1, %mul3A : i32
    %add3A = arith.addi %mul3A_0, %arg0 : i32
    %mul3A_1 = arith.constant 10000 : i32
    %mul3A_2 = arith.muli %add3A, %mul3A_1 : i32
    %dma_start3A = tpu.memref_slice %arg2[%mul3A_2] : memref<320000xi32, #tpu.memory_space<hbm>> -> memref<10000xi32, #tpu.memory_space<hbm>>
    %dma_start3A_3 = tpu.memref_slice %arg2[%mul3A_2] : memref<320000xi32, #tpu.memory_space<hbm>> -> memref<10000xi32, #tpu.memory_space<hbm>>
    tpu.enqueue_dma source(%dma_start3A_3 : memref<10000xi32, #tpu.memory_space<hbm>>) target(%arg6 : memref<10000xi32, #tpu.memory_space<vmem>>) target_semaphore(%arg10 : memref<!tpu.dma_semaphore, #tpu.memory_space<semaphore_mem>>)
    %mul3A_4 = arith.constant 10000 : i32
    %mul3A_5 = arith.muli %add3A, %mul3A_4 : i32
    %dma_start3A_6 = tpu.memref_slice %arg3[%mul3A_5] : memref<320000xi32, #tpu.memory_space<hbm>> -> memref<10000xi32, #tpu.memory_space<hbm>>
    %dma_start3A_7 = tpu.memref_slice %arg3[%mul3A_5] : memref<320000xi32, #tpu.memory_space<hbm>> -> memref<10000xi32, #tpu.memory_space<hbm>>
    tpu.enqueue_dma source(%dma_start3A_7 : memref<10000xi32, #tpu.memory_space<hbm>>) target(%arg7 : memref<10000xi32, #tpu.memory_space<vmem>>) target_semaphore(%arg11 : memref<!tpu.dma_semaphore, #tpu.memory_space<semaphore_mem>>)
    %scan3A = arith.constant 0 : i32
    %scan3A_8 = arith.constant 640 : i32
    %scan3A_9 = arith.addi %scan3A, %scan3A_8 : i32
    %scan3A_10 = arith.constant 1 : i32
    scf.for %scan3A_25 = %scan3A to %scan3A_9 step %scan3A_10  : i32 {
      %mul3A_26 = arith.constant 1 : i32
      %mul3A_27 = arith.muli %scan3A_25, %mul3A_26 : i32
      %add3A_28 = arith.constant 0 : i32
      %add3A_29 = arith.addi %add3A_28, %mul3A_27 : i32
      %broadcast_in_dim3A_30 = arith.constant 0.000000e+00 : f32
      %broadcast_in_dim3A_31 = vector.broadcast %broadcast_in_dim3A_30 : f32 to vector<16xf32>
      %mul3A_32 = arith.constant 16 : i32
      %mul3A_33 = arith.muli %add3A_29, %mul3A_32 : i32
      %swap3A = arith.index_cast %mul3A_33 : i32 to index
      %swap3A_34 = tpu.vector_load %arg8[%swap3A] {strides = array<i32>} : memref<10240xf32, #tpu.memory_space<vmem>>, vector<16xf32>,
      tpu.vector_store %arg8[%swap3A], %broadcast_in_dim3A_31 {strides = array<i32>} : memref<10240xf32, #tpu.memory_space<vmem>>, vector<16xf32>,
      %broadcast_in_dim3A_35 = arith.constant 0.000000e+00 : f32
      %broadcast_in_dim3A_36 = vector.broadcast %broadcast_in_dim3A_35 : f32 to vector<16xf32>
      %mul3A_37 = arith.constant 16 : i32
      %mul3A_38 = arith.muli %add3A_29, %mul3A_37 : i32
      %swap3A_39 = arith.index_cast %mul3A_38 : i32 to index
      %swap3A_40 = tpu.vector_load %arg9[%swap3A_39] {strides = array<i32>} : memref<10240xf32, #tpu.memory_space<vmem>>, vector<16xf32>,
      tpu.vector_store %arg9[%swap3A_39], %broadcast_in_dim3A_36 {strides = array<i32>} : memref<10240xf32, #tpu.memory_space<vmem>>, vector<16xf32>,
    }
    %scan3A_11 = arith.constant 640 : i32
    %mul3A_12 = arith.constant 10000 : i32
    %mul3A_13 = arith.muli %add3A, %mul3A_12 : i32
    %dma_wait3A = tpu.memref_slice %arg2[%mul3A_13] : memref<320000xi32, #tpu.memory_space<hbm>> -> memref<10000xi32, #tpu.memory_space<hbm>>
    %dma_wait3A_14 = tpu.memref_slice %arg2[%mul3A_13] : memref<320000xi32, #tpu.memory_space<hbm>> -> memref<10000xi32, #tpu.memory_space<hbm>>
    tpu.wait_dma2 semaphore(%arg10 : memref<!tpu.dma_semaphore, #tpu.memory_space<semaphore_mem>>) src(%dma_wait3A_14 : memref<10000xi32, #tpu.memory_space<hbm>>) dst(%arg6 : memref<10000xi32, #tpu.memory_space<vmem>>)
    %mul3A_15 = arith.constant 10000 : i32
    %mul3A_16 = arith.muli %add3A, %mul3A_15 : i32
    %dma_wait3A_17 = tpu.memref_slice %arg3[%mul3A_16] : memref<320000xi32, #tpu.memory_space<hbm>> -> memref<10000xi32, #tpu.memory_space<hbm>>
    %dma_wait3A_18 = tpu.memref_slice %arg3[%mul3A_16] : memref<320000xi32, #tpu.memory_space<hbm>> -> memref<10000xi32, #tpu.memory_space<hbm>>
    tpu.wait_dma2 semaphore(%arg11 : memref<!tpu.dma_semaphore, #tpu.memory_space<semaphore_mem>>) src(%dma_wait3A_18 : memref<10000xi32, #tpu.memory_space<hbm>>) dst(%arg7 : memref<10000xi32, #tpu.memory_space<vmem>>)
    %broadcast_in_dim3A = arith.constant 1.000000e+00 : f32
    %broadcast_in_dim3A_19 = vector.broadcast %broadcast_in_dim3A : f32 to vector<16xf32>
    %scan3A_20 = arith.constant 0 : i32
    %scan3A_21 = arith.constant 625 : i32
    %scan3A_22 = arith.addi %scan3A_20, %scan3A_21 : i32
    %scan3A_23 = arith.constant 1 : i32
    scf.for %scan3A_25 = %scan3A_20 to %scan3A_22 step %scan3A_23  : i32 {
      %mul3A_26 = arith.constant 1 : i32
      %mul3A_27 = arith.muli %scan3A_25, %mul3A_26 : i32
      %add3A_28 = arith.constant 0 : i32
      %add3A_29 = arith.addi %add3A_28, %mul3A_27 : i32
      %mul3A_30 = arith.constant 16 : i32
      %mul3A_31 = arith.muli %add3A_29, %mul3A_30 : i32
      %get3A = arith.index_cast %mul3A_31 : i32 to index
      %get3A_32 = tpu.vector_load %arg6[%get3A] {strides = array<i32>} : memref<10000xi32, #tpu.memory_space<vmem>>, vector<16xi32>,
      %mul3A_33 = arith.constant 16 : i32
      %mul3A_34 = arith.muli %add3A_29, %mul3A_33 : i32
      %get3A_35 = arith.index_cast %mul3A_34 : i32 to index
      %get3A_36 = tpu.vector_load %arg7[%get3A_35] {strides = array<i32>} : memref<10000xi32, #tpu.memory_space<vmem>>, vector<16xi32>,
      tpu.vector_store_idx %arg8[%get3A_32], %broadcast_in_dim3A_19 {add = true} : memref<10240xf32, #tpu.memory_space<vmem>>[vector<16xi32>], vector<16xf32>,
      tpu.vector_store_idx %arg9[%get3A_36], %broadcast_in_dim3A_19 {add = true} : memref<10240xf32, #tpu.memory_space<vmem>>[vector<16xi32>], vector<16xf32>,
    }
    %scan3A_24 = arith.constant 625 : i32
    "tpu.region"() ({
      %run_scoped3A = tpu.sem_alloc : memref<!tpu.dma_semaphore, #tpu.memory_space<semaphore_mem>>
      %dma_start3A_25 = arith.constant 0 : i32
      %dma_start3A_26 = tpu.memref_slice %arg4[%add3A, %dma_start3A_25] : memref<32x10240xf32, #tpu.memory_space<hbm>> -> memref<1x10240xf32, #tpu.memory_space<hbm>>
      %dma_start3A_27 = tpu.memref_squeeze %dma_start3A_26 : memref<1x10240xf32, #tpu.memory_space<hbm>> -> memref<10240xf32, #tpu.memory_space<hbm>>
      %dma_start3A_28 = arith.constant 0 : i32
      %dma_start3A_29 = tpu.memref_slice %arg4[%add3A, %dma_start3A_28] : memref<32x10240xf32, #tpu.memory_space<hbm>> -> memref<1x10240xf32, #tpu.memory_space<hbm>>
      %dma_start3A_30 = tpu.memref_squeeze %dma_start3A_29 : memref<1x10240xf32, #tpu.memory_space<hbm>> -> memref<10240xf32, #tpu.memory_space<hbm>>
      tpu.enqueue_dma source(%arg8 : memref<10240xf32, #tpu.memory_space<vmem>>) target(%dma_start3A_30 : memref<10240xf32, #tpu.memory_space<hbm>>) target_semaphore(%run_scoped3A : memref<!tpu.dma_semaphore, #tpu.memory_space<semaphore_mem>>)
      %dma_wait3A_31 = arith.constant 0 : i32
      %dma_wait3A_32 = tpu.memref_slice %arg4[%add3A, %dma_wait3A_31] : memref<32x10240xf32, #tpu.memory_space<hbm>> -> memref<1x10240xf32, #tpu.memory_space<hbm>>
      %dma_wait3A_33 = tpu.memref_squeeze %dma_wait3A_32 : memref<1x10240xf32, #tpu.memory_space<hbm>> -> memref<10240xf32, #tpu.memory_space<hbm>>
      %dma_wait3A_34 = arith.constant 0 : i32
      %dma_wait3A_35 = tpu.memref_slice %arg4[%add3A, %dma_wait3A_34] : memref<32x10240xf32, #tpu.memory_space<hbm>> -> memref<1x10240xf32, #tpu.memory_space<hbm>>
      %dma_wait3A_36 = tpu.memref_squeeze %dma_wait3A_35 : memref<1x10240xf32, #tpu.memory_space<hbm>> -> memref<10240xf32, #tpu.memory_space<hbm>>
      tpu.wait_dma2 semaphore(%run_scoped3A : memref<!tpu.dma_semaphore, #tpu.memory_space<semaphore_mem>>) src(%arg8 : memref<10240xf32, #tpu.memory_space<vmem>>) dst(%dma_wait3A_36 : memref<10240xf32, #tpu.memory_space<hbm>>)
      tpu.yield
    }) : () -> ()
    "tpu.region"() ({
      %run_scoped3A = tpu.sem_alloc : memref<!tpu.dma_semaphore, #tpu.memory_space<semaphore_mem>>
      %dma_start3A_25 = arith.constant 0 : i32
      %dma_start3A_26 = tpu.memref_slice %arg5[%add3A, %dma_start3A_25] : memref<32x10240xf32, #tpu.memory_space<hbm>> -> memref<1x10240xf32, #tpu.memory_space<hbm>>
      %dma_start3A_27 = tpu.memref_squeeze %dma_start3A_26 : memref<1x10240xf32, #tpu.memory_space<hbm>> -> memref<10240xf32, #tpu.memory_space<hbm>>
      %dma_start3A_28 = arith.constant 0 : i32
      %dma_start3A_29 = tpu.memref_slice %arg5[%add3A, %dma_start3A_28] : memref<32x10240xf32, #tpu.memory_space<hbm>> -> memref<1x10240xf32, #tpu.memory_space<hbm>>
      %dma_start3A_30 = tpu.memref_squeeze %dma_start3A_29 : memref<1x10240xf32, #tpu.memory_space<hbm>> -> memref<10240xf32, #tpu.memory_space<hbm>>
      tpu.enqueue_dma source(%arg9 : memref<10240xf32, #tpu.memory_space<vmem>>) target(%dma_start3A_30 : memref<10240xf32, #tpu.memory_space<hbm>>) target_semaphore(%run_scoped3A : memref<!tpu.dma_semaphore, #tpu.memory_space<semaphore_mem>>)
      %dma_wait3A_31 = arith.constant 0 : i32
      %dma_wait3A_32 = tpu.memref_slice %arg5[%add3A, %dma_wait3A_31] : memref<32x10240xf32, #tpu.memory_space<hbm>> -> memref<1x10240xf32, #tpu.memory_space<hbm>>
      %dma_wait3A_33 = tpu.memref_squeeze %dma_wait3A_32 : memref<1x10240xf32, #tpu.memory_space<hbm>> -> memref<10240xf32, #tpu.memory_space<hbm>>
      %dma_wait3A_34 = arith.constant 0 : i32
      %dma_wait3A_35 = tpu.memref_slice %arg5[%add3A, %dma_wait3A_34] : memref<32x10240xf32, #tpu.memory_space<hbm>> -> memref<1x10240xf32, #tpu.memory_space<hbm>>
      %dma_wait3A_36 = tpu.memref_squeeze %dma_wait3A_35 : memref<1x10240xf32, #tpu.memory_space<hbm>> -> memref<10240xf32, #tpu.memory_space<hbm>>
      tpu.wait_dma2 semaphore(%run_scoped3A : memref<!tpu.dma_semaphore, #tpu.memory_space<semaphore_mem>>) src(%arg9 : memref<10240xf32, #tpu.memory_space<vmem>>) dst(%dma_wait3A_36 : memref<10240xf32, #tpu.memory_space<hbm>>)
      tpu.yield
    }) : () -> ()
    return
  }
}

</mosaic_0001>

<sc_bundles>
// kernel: _deg_call.3.cloned.1.call-start
scs
__scs_entry_jumppad:
0x0: {  	(pc) =	sbr.rel $0x88, $3  }
0x1: {  	(tag) =	ssettag $0x0;
	lr =	simm.s32 $0x1  }
0x2: {  	[smem:$0x3F9F] =	sst lr;
	_ =	strace $0xD0000000  }
0x3: {  	_ = 	snop  }
0x4: {  	_ = 	snop  }
0x5: {  	_ = 	snop  }
0x6: {  	_ = 	snop  }
0x7: {  	_ = 	snop  }
__scs_overlays_trampoline_lowered:
0x8: {  	[smem:$0x3FAE] =	sst s0  }
0x9: {  	[smem:$0x3FAF] =	sst s1  }
0xa: {  	[smem:$0x3FB0] =	sst s2  }
0xb: {  	[smem:$0x3FB1] =	sst s3  }
0xc: {  	[smem:$0x3FB2] =	sst s4  }
0xd: {  	[smem:$0x3FB3] =	sst s5  }
0xe: {  	[smem:$0x3FB4] =	sst s6  }
0xf: {  	[smem:$0x3FB5] =	sst s7  }
0x10: {  	[smem:$0x3FB6] =	sst s8  }
0x11: {  	[smem:$0x3FB7] =	sst s9;
	s0 =	simm.s32 @!p0 $0x0  }
0x12: {  	s1 =	sld [smem:$0x3F9D];
	s0 =	simm.s32 @p0 $0x1  }
0x13: {  	[smem:$0x3FB8] =	sst s0;
	s0 =	simm.s32 @!p1 $0x0  }
0x14: {  	s2 =	sld [smem:$0x3F9C];
	s0 =	simm.s32 @p1 $0x1  }
0x15: {  	[smem:$0x3FB9] =	sst s0;
	s0 =	simm.s32 @!p2 $0x0  }
0x16: {  	s3 =	sld [smem:$0x3FDB];
	s0 =	simm.s32 @p2 $0x1  }
0x17: {  	s4 =	simm.s32 $0x1BF5;
	[smem:$0x3FBB] =	sst s0  }
0x18: {  	s0 =	sld [smem:$0x3F9E];
	_ =	swait.ge [sflag:s4], $0x0  }
0x19: {  	s7 =	sld [smem:$0x3F9F]  }
0x1a: {  	s8 =	sadd.s32 $0xFFFFE003, lr  }
0x1b: {  	s9 =	sadd.s32 $0xFFFFFEF7, lr;
	s5 =	simm.s32 $0xFFFFFFFF;
	p2 =	slt.u32 s8, $0xFFFFF086  }
0x1c: {  	p1 =	slt.u32 s9, $0xF7A;
	s5 =	simm.s32 @!p2 $0x0  }
0x1d: {  	s5 =	simm.s32 @p1 $0x1;
	p0 =	seq.s32 s7, s2  }
0x1e: {  	s7 =	smul.u32 @!p0 $0xF7A, s2;
	p2 =	seq.s32 @!p0 s5, $0x0  }
0x1f: {  	s9 =	smul.u32 $0xF7A, s1;
	s8 =	simm.s32 @!p0 $0x1BF5;
	p2 =	por !p2, p0  }
0x20: {  	[sflag:s8] =	ssyncset.s32 @!p0 $0xFFFFF086;
	s6 =	sadd.s32 @!p0 s3, s7;
	s7 =	simm.s32 @!p0 $0x108  }
0x21: {  	s3 =	sadd.s32 s3, s9;
	s6 =	sadd.s32 @!p0 $0x88, s6;
	s7 =	simm.s32 @p2 $0x1082  }
0x22: {  	[simem:s7], [sflag:s8] =	dma.local @!p0 [hbm:s6], $0xF7A  }
0x23: {  	s9 =	sor.u32 $0xD0000000, s2;
	s6 =	simm.s32 $0x108;
	_ =	swait.ge @!p0 [sflag:s8], $0x0  }
0x24: {  	s3 =	sadd.s32 $0x88, s3;
	s6 =	simm.s32 @!p1 $0x1082;
	[sflag:s4] =	ssyncset.s32 $0xFFFFF086  }
0x25: {  	[simem:s6], [sflag:s4] =	dma.local [hbm:s3], $0xF7A  }
0x26: {  	[smem:$0x3F9F] =	sst s1;
	(tag) =	ssettag s2;
	_ =	strace s9  }
0x27: {  	s1 =	sld [smem:$0x3FAF]  }
0x28: {  	s2 =	sld [smem:$0x3FB0]  }
0x29: {  	s4 =	sld [smem:$0x3FB2]  }
0x2a: {  	p0 =	seq.s32 s5, $0x0;
	s5 =	sld [smem:$0x3FB3]  }
0x2b: {  	s6 =	sld [smem:$0x3FB4]  }
0x2c: {  	s7 =	sld [smem:$0x3FB5]  }
0x2d: {  	s3 =	simm.s32 $0x108;
	s8 =	sld [smem:$0x3FB6]  }
0x2e: {  	s3 =	simm.s32 @!p0 $0x1082;
	s9 =	sld [smem:$0x3FB7]  }
0x2f: {  	lr =	sadd.s32 s0, s3;
	s0 =	sld [smem:$0x3FAE]  }
0x30: {  	s3 =	sld [smem:$0x3FB1]  }
0x31: {  	[smem:$0x3FBA] =	sst s10  }
0x32: {  	s10 =	sld [smem:$0x3FB8];
	_ =	sdelay $0x3  }
0x33: {  	p0 =	seq.s32 s10, $0x1;
	s10 =	sld [smem:$0x3FBA];
	_ =	sdelay $0x3  }
0x34: {  	[smem:$0x3FBA] =	sst s10  }
0x35: {  	s10 =	sld [smem:$0x3FB9];
	_ =	sdelay $0x3  }
0x36: {  	p1 =	seq.s32 s10, $0x1;
	s10 =	sld [smem:$0x3FBA];
	_ =	sdelay $0x3  }
0x37: {  	[smem:$0x3FBA] =	sst s10  }
0x38: {  	s10 =	sld [smem:$0x3FBB]  }
0x39: {  	_ = 	snop;
	(pc) =	sbr.ind lr, $3  }
0x3a: {  	_ = 	snop  }
0x3b: {  	_ = 	snop  }
0x3c: {  	p2 =	seq.s32 s10, $0x1;
	s10 =	sld [smem:$0x3FBA]  }
0x3d: {  	_ =	shalt  }
0x3e: {  	_ =	shalt  }
0x3f: {  	_ =	shalt  }
0x40: {  	_ =	shalt  }
0x41: {  	_ =	shalt  }
0x42: {  	_ =	shalt  }
0x43: {  	_ =	shalt  }
0x44: {  	_ =	shalt  }
0x45: {  	_ =	shalt  }
0x46: {  	_ =	shalt  }
0x47: {  	_ =	shalt  }
0x48: {  	_ =	shalt  }
0x49: {  	_ =	shalt  }
0x4a: {  	_ =	shalt  }
0x4b: {  	_ =	shalt  }
0x4c: {  	_ =	shalt  }
0x4d: {  	_ =	shalt  }
0x4e: {  	_ =	shalt  }
0x4f: {  	_ =	shalt  }
0x50: {  	_ =	shalt  }
0x51: {  	_ =	shalt  }
0x52: {  	_ =	shalt  }
0x53: {  	_ =	shalt  }
0x54: {  	_ =	shalt  }
0x55: {  	_ =	shalt  }
0x56: {  	_ =	shalt  }
0x57: {  	_ =	shalt  }
0x58: {  	_ =	shalt  }
0x59: {  	_ =	shalt  }
0x5a: {  	_ =	shalt  }
0x5b: {  	_ =	shalt  }
0x5c: {  	_ =	shalt  }
0x5d: {  	_ =	shalt  }
0x5e: {  	_ =	shalt  }
0x5f: {  	_ =	shalt  }
0x60: {  	_ =	shalt  }
0x61: {  	_ =	shalt  }
0x62: {  	_ =	shalt  }
0x63: {  	_ =	shalt  }
0x64: {  	_ =	shalt  }
0x65: {  	_ =	shalt  }
0x66: {  	_ =	shalt  }
0x67: {  	_ =	shalt  }
0x68: {  	_ =	shalt  }
0x69: {  	_ =	shalt  }
0x6a: {  	_ =	shalt  }
0x6b: {  	_ =	shalt  }
0x6c: {  	_ =	shalt  }
0x6d: {  	_ =	shalt  }
0x6e: {  	_ =	shalt  }
0x6f: {  	_ =	shalt  }
0x70: {  	_ =	shalt  }
0x71: {  	_ =	shalt  }
0x72: {  	_ =	shalt  }
0x73: {  	_ =	shalt  }
0x74: {  	_ =	shalt  }
0x75: {  	_ =	shalt  }
0x76: {  	_ =	shalt  }
0x77: {  	_ =	shalt  }
0x78: {  	_ =	shalt  }
0x79: {  	_ =	shalt  }
0x7a: {  	_ =	shalt  }
0x7b: {  	_ =	shalt  }
0x7c: {  	_ =	shalt  }
0x7d: {  	_ =	shalt  }
0x7e: {  	_ =	shalt  }
0x7f: {  	_ =	shalt  }
0x80: {  	_ =	shalt  }
0x81: {  	_ =	shalt  }
0x82: {  	_ =	shalt  }
0x83: {  	_ =	shalt  }
0x84: {  	_ =	shalt  }
0x85: {  	_ =	shalt  }
0x86: {  	_ =	shalt  }
0x87: {  	_ =	shalt  }
.Lfunc_end0:
.L_simem_size_0:
called_computation_lowered:
.L_overlay_start_0:
0x88: {  	s2 =	sld [smem:$0x3FD9]  }
0x89: {  	s3 =	sld [smem:$0x3FFE];
	_ =	sdelay $0x1  }
0x8a: {  	s1 =	srdreg.scid  }
0x8b: {  	s0 =	sand.u32 $0x1, s1  }
0x8c: {  	s15 =	sshll.u32 s0, $0xA;
	s2 =	sadd.s32 s3, s2  }
0x8d: {  	s2 =	sadd.s32 s2, s15  }
0x8e: {  	[smem:$0x3FC6] =	sst s2  }
0x8f: {  	_ = 	snop  }
0x90: {  	s2 =	sld [smem:$0x3FD0];
	_ =	sdelay $0x1  }
0x91: {  	s16 =	sld [smem:$0x3FC9]  }
0x92: {  	s5 =	simm.s32 $0xA;
	s6 =	simm.s32 $0x10;
	s4 =	sld [smem:$0x3FC8]  }
0x93: {  	[smem:s6], [sflag:s5] =	dma.local [hbm:s2], $0x1  }
0x94: {  	_ =	swait.eq [sflag:s5], $0x1  }
0x95: {  	[sflag:s5] =	ssyncset.done $0x0  }
0x96: {  	s17 =	sld [smem:$0x10];
	[sflag:s5] =	ssyncadd.s32 $0xFFFFFFFF  }
0x97: {  	s18 =	sld [smem:$0x11];
	(tm) =	ssettm $0x1  }
0x98: {  	s19 =	sld [smem:$0x3FFB];
	_ =	sdelay $0x3  }
0x99: {  	_ =	strace s19  }
0x9a: {  	s6 =	sld [smem:$0x3FFC];
	_ =	sdelay $0x3  }
0x9b: {  	_ =	strace s6  }
0x9c: {  	s6 =	sld [smem:$0x3FFD];
	_ =	sdelay $0x3  }
0x9d: {  	_ =	strace s6  }
0x9e: {  	_ =	strace $0x8FFFFFFF  }
0x9f: {  	s20 =	sld [smem:$0x3FDB];
	_ =	sdelay $0x1  }
0xa0: {  	s7 =	simm.s32 $_scs_section_size  }
0xa1: {  	s8 =	simm.s32 $_size__tile_overlayer_lowered;
	s9 =	simm.s32 $_tile_overlayer_lowered  }
0xa2: {  	s23 =	simm.s32 $0x1BFF;
	s22 =	sshll.u32 s9, $0x1;
	s6 =	sadd.s32 s7, s20  }
0xa3: {  	s10 =	simm.s32 $0x0;
	s21 =	sshll.u32 s8, $0x1;
	s8 =	sadd.s32 s22, s6  }
0xa4: {  	[timem:s10], [sflag:s23] =	dma.local [hbm:s8], s21  }
0xa5: {  	_ =	swait.ge [sflag:s23], s21  }
0xa6: {  	s7 =	ssub.s32 $0x0, s21;
	[sflag:s23] =	ssyncset.done $0x0  }
0xa7: {  	[sflag:s23] =	ssyncadd.s32 s7;
	_ =	sdelay $0x1  }
0xa8: {  	s24 =	simm.s32 $0x1B8B  }
0xa9: {  	_ =	swait.ge [sflag:s24], $0x1  }
0xaa: {  	[sflag:s24] =	ssyncset.done $0x0  }
0xab: {  	s25 =	simm.s32 $0x1B8E;
	[sflag:s24] =	ssyncadd.s32 $0xFFFFFFFF  }
0xac: {  	s26 =	simm.s32 $execute0_lowered;
	[smem:$0x3FD2] =	sst s25  }
0xad: {  	s7 =	sshll.u32 s26, $0x1;
	_ =	strace $0x80000046;
	[dreg:$0x1] =	wrdreg $0xFFFFFFFF  }
0xae: {  	s28 =	simm.s32 $_size_execute0_lowered;
	s6 =	sadd.s32 s6, s7;
	[dreg:$0x0] =	wrdreg $0x0  }
0xaf: {  	s7 =	sshll.u32 s28, $0x1;
	[dreg:$0x2] =	wrdreg s6  }
0xb0: {  	[dreg:$0x3] =	wrdreg s7  }
0xb1: {  	[dreg:$0x4] =	wrdreg $0xC0  }
0xb2: {  	_ =	task [dreg:s10], $0x5FFFF  }
0xb3: {  	[dreg:$0x1] =	wrdreg $0xFFFFFFFF  }
0xb4: {  	[dreg:$0x0] =	wrdreg $0x60  }
0xb5: {  	[dreg:$0x2] =	wrdreg s16  }
0xb6: {  	[dreg:$0x3] =	wrdreg s4  }
0xb7: {  	[dreg:$0x4] =	wrdreg s17  }
0xb8: {  	[dreg:$0x5] =	wrdreg s18  }
0xb9: {  	[dreg:$0x6] =	wrdreg $0x9  }
0xba: {  	_ =	task.clear_ibuf [dreg:s10], $0x7FFFF;
	_ =	strace $0x90000046  }
0xbb: {  	s29 =	simm.s32 $0x9;
	_ =	strace $0x80000048  }
0xbc: {  	_ =	swait.ge [sflag:s29], $0x1  }
0xbd: {  	[sflag:s29] =	ssyncadd.s32 $0xFFFFFFFF  }
0xbe: {  	_ =	strace $0x90000048  }
0xbf: {  	_ =	sfence  }
0xc0: {  	s30 =	sld [smem:$0x0];
	_ =	sdelay $0x2  }
0xc1: {  	s31 =	sshll.u32 s1, $0xD;
	s1 =	sshrl.u32 s1, $0x2  }
0xc2: {  	s3 =	sand.u32 $0x4000, s31;
	s1 =	sadd.s32 s1, s30  }
0xc3: {  	s0 =	sor.u32 s3, s0;
	s1 =	sshll.u32 s1, $0x11  }
0xc4: {  	s0 =	sor.u32 s1, s0  }
0xc5: {  	s0 =	sadd.s32 $0x8F2B, s0  }
0xc6: {  	[sflag:s0] =	ssyncadd.remote.s32 $0x1  }
0xc7: {  	_ =	sfence.sel $0xFFFF  }
0xc8: {  	[dreg:$0x0] =	wrdreg $0xFFFFFFFF;
	(pc) =	sbr.abs _section_cstart, $3  }
0xc9: {  	[dreg:$0x1] =	wrdreg $0xFFFFFFFF  }
0xca: {  	_ =	task.clear_ibuf [dreg:s10], $0x2FFFF;
	_ =	strace $0x9FFFFFFF  }
0xcb: {  	(tm) =	ssettm $0x7FFFFFFF  }
tec
execute0_lowered:
.L_overlay_start_1:
0x0: {  	(tag) =	ssettag $0x1  }
0x1: {  	s3 =	rddreg [dreg:$0x0]  }
0x2: {  	s4 =	rddreg [dreg:$0x1]  }
0x3: {  	s5 =	rddreg [dreg:$0x2]  }
0x4: {  	s6 =	rddreg [dreg:$0x3]  }
0x5: {  	s0 =	rddreg [dreg:$0x4]  }
0x6: {  	s7 =	srdreg.scid;
	s1 =	stileid.u32  }
0x7: {  	s2 =	simm.s32 $0x0;
	s12 =	simm.s32 $0x7700;
	s13 =	simm.s32 $0x80  }
0x8: {  	s14 =	simm.s32 $0x400;
	s15 =	simm.s32 $0x3;
	s16 =	simm.s32 $0x0  }
0x9: {  	s7 =	sand.u32 $0x1, s7;
	s8 =	sshll.u32 s1, $0x1;
	[smem:$0x7FF] =	sst s2  }
0xa: {  	s9 =	sshrl.u32 s1, $0x2;
	s8 =	sor.u32 s7, s8;
	s7 =	ssub.s32 $0x2, s7  }
0xb: {  	s9 =	smul.u32 $0x14000, s9;
	_ =	strace $0x80000047;
	s10 =	sshll.u32 s8, $0x7  }
0xc: {  	s11 =	sshrl.u32 s7, $0x1;
	s8 =	smul.u32 $0x4E2, s8;
	s10 =	sand.u32 $0x380, s10  }
0xd: {  	s7 =	ssub.s32 s7, s11;
	s11 =	simm.s32 $0x4F00;
	s9 =	sor.u32 s9, s10  }
0xe: {  	s3 =	sadd.s32 s3, s8;
	s4 =	sadd.s32 s4, s8;
	s7 =	smax.u32 s7, $0x1  }
0xf: {  	s8 =	simm.s32 $0x2780;
	s10 =	simm.s32 $0x2;
	s31 =	sshrl.u32 s9, $0x3  }
0x10: {  	v0 =	vimm.f32 $0.0e+00;
	v1 =	vimm.f32 $1.000000000e+00;
	s9 =	simm.s32 $0x1;
	s5 =	sadd.s32 s5, s31;
	s6 =	sadd.s32 s6, s31  }
.LBB2_1:
0x11: {  	[tilespmem:s2], [sflag:$0x1] =	stream.linear.gather [hbm4b:s3+s2], $0x2710, $0x38;
	[tilespmem:$0x9F00] =	vst v63  }
0x12: {  	s17 =	simm.s32 $0x40;
	s18 =	simm.s32 $0x0  }
0x13: {  	[tilespmem:s8], [sflag:$0x2] =	stream.linear.gather [hbm4b:s4+s2], $0x2710, $0x38;
	[tilespmem:$0x9F00] =	vst v63  }
.LBB2_2:
0x14: {  	p0 =	sne.s32 s17, $0x9FC0;
	[tilespmem:s18+$0x4F00] =	vst v0;
	s19 =	smov.u32 s17;
	s17 =	sadd.s32 $0x40, s17  }
.Ltmp0:
0x15: {  	[tilespmem:s18+$0x7700] =	vst v0;
	(pc) =	sbr.rel @p0 .LBB2_2-.Ltmp0, $2  }
0x16: {  	_ =	sdelay $0x2  }
0x17: {  	s18 =	sshra.s32 s19, $0x2  }
0x18: {  	[tilespmem:s18+$0x4F00] =	vst v0  }
0x19: {  	[tilespmem:s18+$0x7700] =	vst v0  }
0x1a: {  	_ =	swait.ge [sflag:s9], $0x2710  }
0x1b: {  	[sflag:s9] =	ssyncset.done $0x0  }
0x1c: {  	[sflag:s9] =	ssyncadd.s32 $0xFFFFD8F0  }
0x1d: {  	_ =	swait.ge [sflag:s10], $0x2710  }
0x1e: {  	[sflag:s10] =	ssyncset.done $0x0  }
0x1f: {  	s18 =	simm.s32 $0x0;
	[sflag:s10] =	ssyncadd.s32 $0xFFFFD8F0  }
0x20: {  	s17 =	simm.s32 $0x40;
	v2 =	vld [tilespmem:s18+$0x0]  }
.LBB2_4:
0x21: {  	p0 =	sne.s32 s17, $0x9C00;
	v3 =	vld [tilespmem:s18+$0x2780];
	_ =	sdelay $0x4  }
.Ltmp1:
0x22: {  	(pc) =	sbr.rel @p0 .LBB2_4-.Ltmp1, $4  }
0x23: {  	_ = 	snop  }
0x24: {  	[tilespmem:v2+s11+$0x0] =	vst.idx.add.f32.msk $0xffff, v1  }
0x25: {  	s18 =	sshra.s32 s17, $0x2;
	[tilespmem:v3+s12+$0x0] =	vst.idx.add.f32.msk $0xffff, v1  }
0x26: {  	s17 =	sadd.s32 $0x40, s17;
	v2 =	vld [tilespmem:s18+$0x0]  }
0x27: {  	_ = 	snop  }
0x28: {  	v3 =	vld [tilespmem:s18+$0x2780];
	_ =	sdelay $0x6  }
0x29: {  	[tilespmem:v2+s11+$0x0] =	vst.idx.add.f32.msk $0xffff, v1  }
0x2a: {  	[tilespmem:v3+s12+$0x0] =	vst.idx.add.f32.msk $0xffff, v1  }
0x2b: {  	[hbm4b:s5+s13] =	stream.strided.scatter [tilespmem:s11], [sflag:$0x3], $0x2800, s14, s13, $0x38;
	[tilespmem:$0x9F00] =	vst v63  }
0x2c: {  	s16 =	sadd.s32 $0x1, s16;
	_ =	swait.ge [sflag:s15], $0x2800  }
0x2d: {  	p0 =	sne.s32 s16, s7;
	[sflag:s15] =	ssyncset.done $0x0  }
.Ltmp2:
0x2e: {  	[sflag:s15] =	ssyncadd.s32 $0xFFFFD800;
	(pc) =	sbr.rel @p0 .LBB2_1-.Ltmp2, $4  }
0x2f: {  	[hbm4b:s6+s13] =	stream.strided.scatter [tilespmem:s12], [sflag:$0x3], $0x2800, s14, s13, $0x38;
	[tilespmem:$0x9F00] =	vst v63  }
0x30: {  	_ =	swait.ge [sflag:s15], $0x2800  }
0x31: {  	[sflag:s15] =	ssyncset.done $0x0  }
0x32: {  	[sflag:s15] =	ssyncadd.s32 $0xFFFFD800  }
0x33: {  	_ =	sfence.sel $0x180000  }
0x34: {  	[bflag:$0x0] =	sbarrier.arrive $0xFFFF  }
0x35: {  	p0 =	sne.s32 s1, $0x0;
	_ =	strace $0x90000047  }
0x36: {  	s0 =	sadd.s32 @!p0 $0x100000, s0;
	[bflag:$0x2] =	sbarrier.arrive $0xFFFF  }
0x37: {  	[sflag:s0] =	ssyncadd.tile.s32 @!p0 $0x1;
	_ =	shalt  }
.Lfunc_end2:
_tile_overlayer_lowered:
.L_overlay_start_2:
0x38: {  	(tag) =	ssettag $0x2  }
0x39: {  	s0 =	rddreg [dreg:$0x0];
	s2 =	stileid.u32  }
0x3a: {  	s1 =	rddreg [dreg:$0x1];
	p0 =	sne.s32 s2, $0x0  }
0x3b: {  	s3 =	rddreg [dreg:$0x2];
	[bflag:$0x3] =	sbarrier.arrive $0xFFFF;
	s2 =	simm.s32 @!p0 $0x1C03  }
0x3c: {  	[timem:s3], [sflag:s2] =	dma.local @!p0 [hbm:s0], s1  }
0x3d: {  	s0 =	simm.s32 @!p0 $0x3  }
0x3e: {  	_ =	swait.ge @!p0 [sflag:s0], s1  }
0x3f: {  	s1 =	ssub.s32 @!p0 $0x0, s1;
	[sflag:s0] =	ssyncset.done @!p0 $0x0  }
0x40: {  	[sflag:s0] =	ssyncadd.s32 @!p0 s1  }
0x41: {  	[bflag:$0x3] =	sbarrier.arrive $0xFFFF  }
0x42: {  	_ =	shalt  }

</sc_bundles>
